<compile_context>
chip_gen: v7x
topology: tpu7x:2x2x1
jax: 0.10.2.dev20260603
libtpu: 0.0.44.dev20260713+nightly
codegen_flags: <defaults>
</compile_context>

<pallas_src>
import functools

import jax
import jax.numpy as jnp
from jax import lax
from jax.experimental import pallas as pl
from jax.experimental.pallas import tpu as pltpu
from jax.experimental.pallas import tpu_sc as plsc

_D = 64
_EPS = 1e-12
_CB = 8


def _sc_gather(token_table, idx_a, idx_b, b, s):
    n_rows = b * s
    sa = idx_a.shape[1]
    sb = s - sa
    info = plsc.get_sparse_core_info()
    nw = info.num_cores * info.num_subcores
    bpw = b // nw
    n_chunks = bpw // _CB
    mesh = plsc.VectorSubcoreMesh(core_axis_name="c", subcore_axis_name="s")

    @functools.partial(
        pl.kernel,
        mesh=mesh,
        compiler_params=pltpu.CompilerParams(use_tc_tiling_on_sc=False),
        out_type=jax.ShapeDtypeStruct((n_rows, _D), jnp.float32),
        scratch_types=[
            pltpu.VMEM((_CB, sa), jnp.int32),
            pltpu.VMEM((_CB, sa), jnp.int32),
            pltpu.VMEM((_CB * s, _D), jnp.float32),
            pltpu.SemaphoreType.DMA,
        ],
    )
    def k(table_hbm, ia_hbm, ib_hbm, out_hbm, ia_v, ib_v, rows_v, sem):
        cid = lax.axis_index("c")
        sid = lax.axis_index("s")
        wid = sid * info.num_cores + cid

        def chunk(g, carry):
            r0 = wid * bpw + g * _CB
            pltpu.sync_copy(ia_hbm.at[pl.ds(r0, _CB)], ia_v)
            pltpu.sync_copy(ib_hbm.at[pl.ds(r0, _CB)], ib_v)
            copies = []
            for i in range(_CB):
                copies.append(
                    pltpu.async_copy(
                        table_hbm.at[ia_v.at[i]],
                        rows_v.at[pl.ds(i * s, sa)],
                        sem,
                    )
                )
                copies.append(
                    pltpu.async_copy(
                        table_hbm.at[ib_v.at[i, pl.ds(0, sb)]],
                        rows_v.at[pl.ds(i * s + sa, sb)],
                        sem,
                    )
                )
            for c in copies:
                c.wait()
            pltpu.sync_copy(rows_v, out_hbm.at[pl.ds(r0 * s, _CB * s)])
            return carry

        lax.fori_loop(0, n_chunks, chunk, 0)

    return k(token_table, idx_a, idx_b)


def _tc_layernorm(gathered3d, pos3d, gamma3d, beta3d):
    b, s, d = gathered3d.shape
    bb = 32

    def body(x_ref, pos_ref, gamma_ref, beta_ref, o_ref):
        x = x_ref[...] + pos_ref[...]
        mean = jnp.mean(x, axis=-1, keepdims=True)
        xc = x - mean
        var = jnp.mean(xc * xc, axis=-1, keepdims=True)
        o_ref[...] = (
            xc * lax.rsqrt(var + _EPS) * gamma_ref[...] + beta_ref[...]
        )

    return pl.pallas_call(
        body,
        grid=(b // bb,),
        in_specs=[
            pl.BlockSpec((bb, s, d), lambda i: (i, 0, 0)),
            pl.BlockSpec((1, s, d), lambda i: (0, 0, 0)),
            pl.BlockSpec((1, 1, d), lambda i: (0, 0, 0)),
            pl.BlockSpec((1, 1, d), lambda i: (0, 0, 0)),
        ],
        out_specs=pl.BlockSpec((bb, s, d), lambda i: (i, 0, 0)),
        out_shape=jax.ShapeDtypeStruct((b, s, d), jnp.float32),
    )(gathered3d, pos3d, gamma3d, beta3d)


def _sc_gather_pairs(tt2, idx2d, n_rows):
    info = plsc.get_sparse_core_info()
    nw = info.num_cores * info.num_subcores
    per_w = n_rows // nw
    f, g = 640, 128
    n_chunks = per_w // f
    mesh = plsc.VectorSubcoreMesh(core_axis_name="c", subcore_axis_name="s")

    @functools.partial(
        pl.kernel,
        mesh=mesh,
        compiler_params=pltpu.CompilerParams(use_tc_tiling_on_sc=False),
        out_type=jax.ShapeDtypeStruct((n_rows, 2 * _D), jnp.float32),
        scratch_types=[
            pltpu.VMEM((f // g, g), jnp.int32),
            pltpu.VMEM((f, 2 * _D), jnp.float32),
            pltpu.SemaphoreType.DMA,
        ],
    )
    def k(table_hbm, idx_hbm, out_hbm, idx_v, rows_v, sem):
        cid = lax.axis_index("c")
        sid = lax.axis_index("s")
        wid = sid * info.num_cores + cid

        def chunk(c, carry):
            base = wid * per_w + c * f
            pltpu.sync_copy(idx_hbm.at[pl.ds(base // g, f // g)], idx_v)
            copies = []
            for j in range(f // g):
                copies.append(
                    pltpu.async_copy(
                        table_hbm.at[idx_v.at[j]],
                        rows_v.at[pl.ds(j * g, g)],
                        sem,
                    )
                )
            for cp in copies:
                cp.wait()
            pltpu.sync_copy(rows_v, out_hbm.at[pl.ds(base, f)])
            return carry

        lax.fori_loop(0, n_chunks, chunk, 0)

    return k(tt2, idx2d)


def kernel(input_ids, token_table, pos_table, gamma, beta):
    b, s = input_ids.shape
    n_rows = b * s
    v = token_table.shape[0]
    tt2 = token_table.reshape(v // 2, 2 * _D)
    idx_half = (input_ids // 2).reshape(n_rows // 128, 128)
    pairs = _sc_gather_pairs(tt2, idx_half, n_rows)
    gathered = pairs[:, :_D]
    return _tc_layernorm(
        gathered.reshape(b, s, _D),
        pos_table.reshape(1, s, _D),
        gamma.reshape(1, 1, _D),
        beta.reshape(1, 1, _D),
    )

# --- scband reference (transcript-rebuilt; emitter-appended) ---
"""Pipeline reference for scband-embeddings-8229157339652 (READ-ONLY COPY).

The authoritative reference and input builder live on the scoring server;
editing this copy changes nothing except your own understanding.
"""

import jax, jax.numpy as jnp
import numpy as np

VOCAB = 1000000
EMBED_DIM = 64
POSITION_SIZE = 200
BATCH = 1024
SEQ = 200
EPS = 1e-12

def setup_inputs(seed: int = 0) -> dict:
    key = jax.random.key(seed)
    k1, k2, k3 = jax.random.split(key, 3)
    input_ids = jax.random.randint(k1, (BATCH, SEQ), 0, VOCAB, dtype=jnp.int64 if jax.config.jax_enable_x64 else jnp.int32).astype(jnp.int32)
    token_table = jax.random.normal(k2, (VOCAB, EMBED_DIM), dtype=jnp.float32) * 0.02
    pos_table = jax.random.normal(k3, (POSITION_SIZE, EMBED_DIM), dtype=jnp.float32) * 0.02
    gamma = jnp.ones((EMBED_DIM,), dtype=jnp.float32)
    beta = jnp.zeros((EMBED_DIM,), dtype=jnp.float32)
    return {"input_ids": input_ids, "token_table": token_table, "pos_table": pos_table, "gamma": gamma, "beta": beta}

def reference(input_ids, token_table, pos_table, gamma, beta):
    seq_length = input_ids.shape[1]
    position_ids = jnp.arange(seq_length, dtype=jnp.int32)[None, :]  # [1, S]
    token_embeddings = jnp.take(token_table, input_ids, axis=0)      # [B, S, D] gather
    position_embeddings = jnp.take(pos_table, position_ids, axis=0)  # [1, S, D]
    all_embeddings = token_embeddings + position_embeddings
    mean = jnp.mean(all_embeddings, axis=-1, keepdims=True)
    var = jnp.mean(jnp.square(all_embeddings - mean), axis=-1, keepdims=True)
    normed = (all_embeddings - mean) / jnp.sqrt(var + EPS)
    out = normed * gamma + beta
    # dropout is identity in eval mode
    return out

if __name__ == "__main__":
    import jax
    _d = setup_inputs()
    print(jax.jit(kernel)(*tuple(_d.values())))

</pallas_src>

<mosaic_0001>
#map = affine_map<(d0, d1) -> (0, 0)>
module attributes {stable_mosaic.version = 14 : i64} {
  func.func @k(%arg0: i32, %arg1: i32, %arg2: memref<500000x128xf32, #tpu.memory_space<hbm>>, %arg3: memref<1600x128xi32, #tpu.memory_space<hbm>>, %arg4: memref<204800x128xf32, #tpu.memory_space<hbm>>, %arg5: memref<5x128xi32, #tpu.memory_space<vmem>>, %arg6: memref<640x128xf32, #tpu.memory_space<vmem>>, %arg7: memref<!tpu.dma_semaphore, #tpu.memory_space<semaphore_mem>>) attributes {dimension_semantics = [#tpu.dimension_semantics<core_parallel>, #tpu.dimension_semantics<subcore_parallel>], iteration_bounds = array<i64: 2, 16>, scalar_prefetch = 0 : i64, scratch_operands = 3 : i64, tpu.core_type = #tpu.core_type<sc_vector_subcore>, window_params = [{transform_indices = #map}, {transform_indices = #map}, {transform_indices = #map}]} {
    %mul3A = arith.constant 2 : i32
    %mul3A_0 = arith.muli %arg1, %mul3A : i32
    %add3A = arith.addi %mul3A_0, %arg0 : i32
    %scan3A = arith.constant 0 : i32
    %scan3A_1 = arith.constant 0 : i32
    %scan3A_2 = arith.constant 10 : i32
    %scan3A_3 = arith.addi %scan3A_1, %scan3A_2 : i32
    %scan3A_4 = arith.constant 1 : i32
    scf.for %scan3A_6 = %scan3A_1 to %scan3A_3 step %scan3A_4  : i32 {
      %mul3A_7 = arith.constant 6400 : i32
      %mul3A_8 = arith.muli %add3A, %mul3A_7 : i32
      %mul3A_9 = arith.constant 640 : i32
      %mul3A_10 = arith.muli %scan3A_6, %mul3A_9 : i32
      %add3A_11 = arith.addi %mul3A_8, %mul3A_10 : i32
      %jit3A = arith.constant 128 : i32
      %div3A = arith.divsi %add3A_11, %jit3A : i32
      %sign3A = arith.constant 0 : i32
      %sign3A_12 = arith.cmpi sgt, %add3A_11, %sign3A : i32
      %sign3A_13 = arith.extui %sign3A_12 : i1 to i32
      %sign3A_14 = arith.constant 0 : i32
      %sign3A_15 = arith.cmpi slt, %add3A_11, %sign3A_14 : i32
      %sign3A_16 = arith.extui %sign3A_15 : i1 to i32
      %sign3A_17 = arith.subi %sign3A_13, %sign3A_16 : i32
      %sign3A_18 = arith.constant 0 : i32
      %sign3A_19 = arith.cmpi sgt, %jit3A, %sign3A_18 : i32
      %sign3A_20 = arith.extui %sign3A_19 : i1 to i32
      %sign3A_21 = arith.constant 0 : i32
      %sign3A_22 = arith.cmpi slt, %jit3A, %sign3A_21 : i32
      %sign3A_23 = arith.extui %sign3A_22 : i1 to i32
      %sign3A_24 = arith.subi %sign3A_20, %sign3A_23 : i32
      %ne3A = arith.cmpi ne, %sign3A_17, %sign3A_24 : i32
      %rem3A = arith.remsi %add3A_11, %jit3A : i32
      %ne3A_25 = arith.constant 0 : i32
      %ne3A_26 = arith.cmpi ne, %rem3A, %ne3A_25 : i32
      %and3A = arith.andi %ne3A, %ne3A_26 : i1
      %sub3A = arith.constant 1 : i32
      %sub3A_27 = arith.subi %div3A, %sub3A : i32
      %select_n3A = arith.select %and3A, %sub3A_27, %div3A : i32
      "tpu.region"() ({
        %run_scoped3A = tpu.sem_alloc : memref<!tpu.dma_semaphore, #tpu.memory_space<semaphore_mem>>
        %dma_start3A_126 = arith.constant 0 : i32
        %dma_start3A_127 = tpu.memref_slice %arg3[%select_n3A, %dma_start3A_126] : memref<1600x128xi32, #tpu.memory_space<hbm>> -> memref<5x128xi32, #tpu.memory_space<hbm>>
        %dma_start3A_128 = arith.constant 0 : i32
        %dma_start3A_129 = tpu.memref_slice %arg3[%select_n3A, %dma_start3A_128] : memref<1600x128xi32, #tpu.memory_space<hbm>> -> memref<5x128xi32, #tpu.memory_space<hbm>>
        tpu.enqueue_dma source(%dma_start3A_129 : memref<5x128xi32, #tpu.memory_space<hbm>>) target(%arg5 : memref<5x128xi32, #tpu.memory_space<vmem>>) target_semaphore(%run_scoped3A : memref<!tpu.dma_semaphore, #tpu.memory_space<semaphore_mem>>)
        %dma_wait3A_130 = arith.constant 0 : i32
        %dma_wait3A_131 = tpu.memref_slice %arg3[%select_n3A, %dma_wait3A_130] : memref<1600x128xi32, #tpu.memory_space<hbm>> -> memref<5x128xi32, #tpu.memory_space<hbm>>
        %dma_wait3A_132 = arith.constant 0 : i32
        %dma_wait3A_133 = tpu.memref_slice %arg3[%select_n3A, %dma_wait3A_132] : memref<1600x128xi32, #tpu.memory_space<hbm>> -> memref<5x128xi32, #tpu.memory_space<hbm>>
        tpu.wait_dma2 semaphore(%run_scoped3A : memref<!tpu.dma_semaphore, #tpu.memory_space<semaphore_mem>>) src(%dma_wait3A_133 : memref<5x128xi32, #tpu.memory_space<hbm>>) dst(%arg5 : memref<5x128xi32, #tpu.memory_space<vmem>>)
        tpu.yield
      }) : () -> ()
      %dma_start3A = arith.constant 0 : i32
      %dma_start3A_28 = arith.constant 0 : i32
      %dma_start3A_29 = arith.constant 0 : i32
      %dma_start3A_30 = tpu.memref_slice %arg6[%dma_start3A_28, %dma_start3A_29] : memref<640x128xf32, #tpu.memory_space<vmem>> -> memref<128x128xf32, #tpu.memory_space<vmem>>
      %dma_start3A_31 = arith.constant 0 : i32
      %dma_start3A_32 = tpu.memref_slice %arg5[%dma_start3A, %dma_start3A_31] : memref<5x128xi32, #tpu.memory_space<vmem>> -> memref<1x128xi32, #tpu.memory_space<vmem>>
      %dma_start3A_33 = tpu.memref_squeeze %dma_start3A_32 : memref<1x128xi32, #tpu.memory_space<vmem>> -> memref<128xi32, #tpu.memory_space<vmem>>
      %dma_start3A_34 = arith.constant 0 : i32
      %dma_start3A_35 = arith.constant 0 : i32
      %dma_start3A_36 = tpu.memref_slice %arg2[%dma_start3A_34, %dma_start3A_35] : memref<500000x128xf32, #tpu.memory_space<hbm>> -> memref<500000x128xf32, #tpu.memory_space<hbm>>
      tpu.enqueue_indirect_dma source(%dma_start3A_36 : memref<500000x128xf32, #tpu.memory_space<hbm>>) target(%dma_start3A_30 : memref<128x128xf32, #tpu.memory_space<vmem>>) offsets(%dma_start3A_33 : memref<128xi32, #tpu.memory_space<vmem>>) semaphore(%arg7 : memref<!tpu.dma_semaphore, #tpu.memory_space<semaphore_mem>>)
      %dma_start3A_37 = arith.constant 1 : i32
      %dma_start3A_38 = arith.constant 128 : i32
      %dma_start3A_39 = arith.constant 0 : i32
      %dma_start3A_40 = tpu.memref_slice %arg6[%dma_start3A_38, %dma_start3A_39] : memref<640x128xf32, #tpu.memory_space<vmem>> -> memref<128x128xf32, #tpu.memory_space<vmem>>
      %dma_start3A_41 = arith.constant 0 : i32
      %dma_start3A_42 = tpu.memref_slice %arg5[%dma_start3A_37, %dma_start3A_41] : memref<5x128xi32, #tpu.memory_space<vmem>> -> memref<1x128xi32, #tpu.memory_space<vmem>>
      %dma_start3A_43 = tpu.memref_squeeze %dma_start3A_42 : memref<1x128xi32, #tpu.memory_space<vmem>> -> memref<128xi32, #tpu.memory_space<vmem>>
      %dma_start3A_44 = arith.constant 0 : i32
      %dma_start3A_45 = arith.constant 0 : i32
      %dma_start3A_46 = tpu.memref_slice %arg2[%dma_start3A_44, %dma_start3A_45] : memref<500000x128xf32, #tpu.memory_space<hbm>> -> memref<500000x128xf32, #tpu.memory_space<hbm>>
      tpu.enqueue_indirect_dma source(%dma_start3A_46 : memref<500000x128xf32, #tpu.memory_space<hbm>>) target(%dma_start3A_40 : memref<128x128xf32, #tpu.memory_space<vmem>>) offsets(%dma_start3A_43 : memref<128xi32, #tpu.memory_space<vmem>>) semaphore(%arg7 : memref<!tpu.dma_semaphore, #tpu.memory_space<semaphore_mem>>)
      %dma_start3A_47 = arith.constant 2 : i32
      %dma_start3A_48 = arith.constant 256 : i32
      %dma_start3A_49 = arith.constant 0 : i32
      %dma_start3A_50 = tpu.memref_slice %arg6[%dma_start3A_48, %dma_start3A_49] : memref<640x128xf32, #tpu.memory_space<vmem>> -> memref<128x128xf32, #tpu.memory_space<vmem>>
      %dma_start3A_51 = arith.constant 0 : i32
      %dma_start3A_52 = tpu.memref_slice %arg5[%dma_start3A_47, %dma_start3A_51] : memref<5x128xi32, #tpu.memory_space<vmem>> -> memref<1x128xi32, #tpu.memory_space<vmem>>
      %dma_start3A_53 = tpu.memref_squeeze %dma_start3A_52 : memref<1x128xi32, #tpu.memory_space<vmem>> -> memref<128xi32, #tpu.memory_space<vmem>>
      %dma_start3A_54 = arith.constant 0 : i32
      %dma_start3A_55 = arith.constant 0 : i32
      %dma_start3A_56 = tpu.memref_slice %arg2[%dma_start3A_54, %dma_start3A_55] : memref<500000x128xf32, #tpu.memory_space<hbm>> -> memref<500000x128xf32, #tpu.memory_space<hbm>>
      tpu.enqueue_indirect_dma source(%dma_start3A_56 : memref<500000x128xf32, #tpu.memory_space<hbm>>) target(%dma_start3A_50 : memref<128x128xf32, #tpu.memory_space<vmem>>) offsets(%dma_start3A_53 : memref<128xi32, #tpu.memory_space<vmem>>) semaphore(%arg7 : memref<!tpu.dma_semaphore, #tpu.memory_space<semaphore_mem>>)
      %dma_start3A_57 = arith.constant 3 : i32
      %dma_start3A_58 = arith.constant 384 : i32
      %dma_start3A_59 = arith.constant 0 : i32
      %dma_start3A_60 = tpu.memref_slice %arg6[%dma_start3A_58, %dma_start3A_59] : memref<640x128xf32, #tpu.memory_space<vmem>> -> memref<128x128xf32, #tpu.memory_space<vmem>>
      %dma_start3A_61 = arith.constant 0 : i32
      %dma_start3A_62 = tpu.memref_slice %arg5[%dma_start3A_57, %dma_start3A_61] : memref<5x128xi32, #tpu.memory_space<vmem>> -> memref<1x128xi32, #tpu.memory_space<vmem>>
      %dma_start3A_63 = tpu.memref_squeeze %dma_start3A_62 : memref<1x128xi32, #tpu.memory_space<vmem>> -> memref<128xi32, #tpu.memory_space<vmem>>
      %dma_start3A_64 = arith.constant 0 : i32
      %dma_start3A_65 = arith.constant 0 : i32
      %dma_start3A_66 = tpu.memref_slice %arg2[%dma_start3A_64, %dma_start3A_65] : memref<500000x128xf32, #tpu.memory_space<hbm>> -> memref<500000x128xf32, #tpu.memory_space<hbm>>
      tpu.enqueue_indirect_dma source(%dma_start3A_66 : memref<500000x128xf32, #tpu.memory_space<hbm>>) target(%dma_start3A_60 : memref<128x128xf32, #tpu.memory_space<vmem>>) offsets(%dma_start3A_63 : memref<128xi32, #tpu.memory_space<vmem>>) semaphore(%arg7 : memref<!tpu.dma_semaphore, #tpu.memory_space<semaphore_mem>>)
      %dma_start3A_67 = arith.constant 4 : i32
      %dma_start3A_68 = arith.constant 512 : i32
      %dma_start3A_69 = arith.constant 0 : i32
      %dma_start3A_70 = tpu.memref_slice %arg6[%dma_start3A_68, %dma_start3A_69] : memref<640x128xf32, #tpu.memory_space<vmem>> -> memref<128x128xf32, #tpu.memory_space<vmem>>
      %dma_start3A_71 = arith.constant 0 : i32
      %dma_start3A_72 = tpu.memref_slice %arg5[%dma_start3A_67, %dma_start3A_71] : memref<5x128xi32, #tpu.memory_space<vmem>> -> memref<1x128xi32, #tpu.memory_space<vmem>>
      %dma_start3A_73 = tpu.memref_squeeze %dma_start3A_72 : memref<1x128xi32, #tpu.memory_space<vmem>> -> memref<128xi32, #tpu.memory_space<vmem>>
      %dma_start3A_74 = arith.constant 0 : i32
      %dma_start3A_75 = arith.constant 0 : i32
      %dma_start3A_76 = tpu.memref_slice %arg2[%dma_start3A_74, %dma_start3A_75] : memref<500000x128xf32, #tpu.memory_space<hbm>> -> memref<500000x128xf32, #tpu.memory_space<hbm>>
      tpu.enqueue_indirect_dma source(%dma_start3A_76 : memref<500000x128xf32, #tpu.memory_space<hbm>>) target(%dma_start3A_70 : memref<128x128xf32, #tpu.memory_space<vmem>>) offsets(%dma_start3A_73 : memref<128xi32, #tpu.memory_space<vmem>>) semaphore(%arg7 : memref<!tpu.dma_semaphore, #tpu.memory_space<semaphore_mem>>)
      %dma_wait3A = arith.constant 0 : i32
      %dma_wait3A_77 = arith.constant 0 : i32
      %dma_wait3A_78 = arith.constant 0 : i32
      %dma_wait3A_79 = tpu.memref_slice %arg6[%dma_wait3A_77, %dma_wait3A_78] : memref<640x128xf32, #tpu.memory_space<vmem>> -> memref<128x128xf32, #tpu.memory_space<vmem>>
      %dma_wait3A_80 = arith.constant 0 : i32
      %dma_wait3A_81 = tpu.memref_slice %arg5[%dma_wait3A, %dma_wait3A_80] : memref<5x128xi32, #tpu.memory_space<vmem>> -> memref<1x128xi32, #tpu.memory_space<vmem>>
      %dma_wait3A_82 = tpu.memref_squeeze %dma_wait3A_81 : memref<1x128xi32, #tpu.memory_space<vmem>> -> memref<128xi32, #tpu.memory_space<vmem>>
      %dma_wait3A_83 = arith.constant 0 : i32
      %dma_wait3A_84 = arith.constant 0 : i32
      %dma_wait3A_85 = tpu.memref_slice %arg2[%dma_wait3A_83, %dma_wait3A_84] : memref<500000x128xf32, #tpu.memory_space<hbm>> -> memref<500000x128xf32, #tpu.memory_space<hbm>>
      tpu.wait_indirect_dma semaphore(%arg7 : memref<!tpu.dma_semaphore, #tpu.memory_space<semaphore_mem>>) src(%dma_wait3A_85 : memref<500000x128xf32, #tpu.memory_space<hbm>>) dst(%dma_wait3A_79 : memref<128x128xf32, #tpu.memory_space<vmem>>)
      %dma_wait3A_86 = arith.constant 1 : i32
      %dma_wait3A_87 = arith.constant 128 : i32
      %dma_wait3A_88 = arith.constant 0 : i32
      %dma_wait3A_89 = tpu.memref_slice %arg6[%dma_wait3A_87, %dma_wait3A_88] : memref<640x128xf32, #tpu.memory_space<vmem>> -> memref<128x128xf32, #tpu.memory_space<vmem>>
      %dma_wait3A_90 = arith.constant 0 : i32
      %dma_wait3A_91 = tpu.memref_slice %arg5[%dma_wait3A_86, %dma_wait3A_90] : memref<5x128xi32, #tpu.memory_space<vmem>> -> memref<1x128xi32, #tpu.memory_space<vmem>>
      %dma_wait3A_92 = tpu.memref_squeeze %dma_wait3A_91 : memref<1x128xi32, #tpu.memory_space<vmem>> -> memref<128xi32, #tpu.memory_space<vmem>>
      %dma_wait3A_93 = arith.constant 0 : i32
      %dma_wait3A_94 = arith.constant 0 : i32
      %dma_wait3A_95 = tpu.memref_slice %arg2[%dma_wait3A_93, %dma_wait3A_94] : memref<500000x128xf32, #tpu.memory_space<hbm>> -> memref<500000x128xf32, #tpu.memory_space<hbm>>
      tpu.wait_indirect_dma semaphore(%arg7 : memref<!tpu.dma_semaphore, #tpu.memory_space<semaphore_mem>>) src(%dma_wait3A_95 : memref<500000x128xf32, #tpu.memory_space<hbm>>) dst(%dma_wait3A_89 : memref<128x128xf32, #tpu.memory_space<vmem>>)
      %dma_wait3A_96 = arith.constant 2 : i32
      %dma_wait3A_97 = arith.constant 256 : i32
      %dma_wait3A_98 = arith.constant 0 : i32
      %dma_wait3A_99 = tpu.memref_slice %arg6[%dma_wait3A_97, %dma_wait3A_98] : memref<640x128xf32, #tpu.memory_space<vmem>> -> memref<128x128xf32, #tpu.memory_space<vmem>>
      %dma_wait3A_100 = arith.constant 0 : i32
      %dma_wait3A_101 = tpu.memref_slice %arg5[%dma_wait3A_96, %dma_wait3A_100] : memref<5x128xi32, #tpu.memory_space<vmem>> -> memref<1x128xi32, #tpu.memory_space<vmem>>
      %dma_wait3A_102 = tpu.memref_squeeze %dma_wait3A_101 : memref<1x128xi32, #tpu.memory_space<vmem>> -> memref<128xi32, #tpu.memory_space<vmem>>
      %dma_wait3A_103 = arith.constant 0 : i32
      %dma_wait3A_104 = arith.constant 0 : i32
      %dma_wait3A_105 = tpu.memref_slice %arg2[%dma_wait3A_103, %dma_wait3A_104] : memref<500000x128xf32, #tpu.memory_space<hbm>> -> memref<500000x128xf32, #tpu.memory_space<hbm>>
      tpu.wait_indirect_dma semaphore(%arg7 : memref<!tpu.dma_semaphore, #tpu.memory_space<semaphore_mem>>) src(%dma_wait3A_105 : memref<500000x128xf32, #tpu.memory_space<hbm>>) dst(%dma_wait3A_99 : memref<128x128xf32, #tpu.memory_space<vmem>>)
      %dma_wait3A_106 = arith.constant 3 : i32
      %dma_wait3A_107 = arith.constant 384 : i32
      %dma_wait3A_108 = arith.constant 0 : i32
      %dma_wait3A_109 = tpu.memref_slice %arg6[%dma_wait3A_107, %dma_wait3A_108] : memref<640x128xf32, #tpu.memory_space<vmem>> -> memref<128x128xf32, #tpu.memory_space<vmem>>
      %dma_wait3A_110 = arith.constant 0 : i32
      %dma_wait3A_111 = tpu.memref_slice %arg5[%dma_wait3A_106, %dma_wait3A_110] : memref<5x128xi32, #tpu.memory_space<vmem>> -> memref<1x128xi32, #tpu.memory_space<vmem>>
      %dma_wait3A_112 = tpu.memref_squeeze %dma_wait3A_111 : memref<1x128xi32, #tpu.memory_space<vmem>> -> memref<128xi32, #tpu.memory_space<vmem>>
      %dma_wait3A_113 = arith.constant 0 : i32
      %dma_wait3A_114 = arith.constant 0 : i32
      %dma_wait3A_115 = tpu.memref_slice %arg2[%dma_wait3A_113, %dma_wait3A_114] : memref<500000x128xf32, #tpu.memory_space<hbm>> -> memref<500000x128xf32, #tpu.memory_space<hbm>>
      tpu.wait_indirect_dma semaphore(%arg7 : memref<!tpu.dma_semaphore, #tpu.memory_space<semaphore_mem>>) src(%dma_wait3A_115 : memref<500000x128xf32, #tpu.memory_space<hbm>>) dst(%dma_wait3A_109 : memref<128x128xf32, #tpu.memory_space<vmem>>)
      %dma_wait3A_116 = arith.constant 4 : i32
      %dma_wait3A_117 = arith.constant 512 : i32
      %dma_wait3A_118 = arith.constant 0 : i32
      %dma_wait3A_119 = tpu.memref_slice %arg6[%dma_wait3A_117, %dma_wait3A_118] : memref<640x128xf32, #tpu.memory_space<vmem>> -> memref<128x128xf32, #tpu.memory_space<vmem>>
      %dma_wait3A_120 = arith.constant 0 : i32
      %dma_wait3A_121 = tpu.memref_slice %arg5[%dma_wait3A_116, %dma_wait3A_120] : memref<5x128xi32, #tpu.memory_space<vmem>> -> memref<1x128xi32, #tpu.memory_space<vmem>>
      %dma_wait3A_122 = tpu.memref_squeeze %dma_wait3A_121 : memref<1x128xi32, #tpu.memory_space<vmem>> -> memref<128xi32, #tpu.memory_space<vmem>>
      %dma_wait3A_123 = arith.constant 0 : i32
      %dma_wait3A_124 = arith.constant 0 : i32
      %dma_wait3A_125 = tpu.memref_slice %arg2[%dma_wait3A_123, %dma_wait3A_124] : memref<500000x128xf32, #tpu.memory_space<hbm>> -> memref<500000x128xf32, #tpu.memory_space<hbm>>
      tpu.wait_indirect_dma semaphore(%arg7 : memref<!tpu.dma_semaphore, #tpu.memory_space<semaphore_mem>>) src(%dma_wait3A_125 : memref<500000x128xf32, #tpu.memory_space<hbm>>) dst(%dma_wait3A_119 : memref<128x128xf32, #tpu.memory_space<vmem>>)
      "tpu.region"() ({
        %run_scoped3A = tpu.sem_alloc : memref<!tpu.dma_semaphore, #tpu.memory_space<semaphore_mem>>
        %dma_start3A_126 = arith.constant 0 : i32
        %dma_start3A_127 = tpu.memref_slice %arg4[%add3A_11, %dma_start3A_126] : memref<204800x128xf32, #tpu.memory_space<hbm>> -> memref<640x128xf32, #tpu.memory_space<hbm>>
        %dma_start3A_128 = arith.constant 0 : i32
        %dma_start3A_129 = tpu.memref_slice %arg4[%add3A_11, %dma_start3A_128] : memref<204800x128xf32, #tpu.memory_space<hbm>> -> memref<640x128xf32, #tpu.memory_space<hbm>>
        tpu.enqueue_dma source(%arg6 : memref<640x128xf32, #tpu.memory_space<vmem>>) target(%dma_start3A_129 : memref<640x128xf32, #tpu.memory_space<hbm>>) target_semaphore(%run_scoped3A : memref<!tpu.dma_semaphore, #tpu.memory_space<semaphore_mem>>)
        %dma_wait3A_130 = arith.constant 0 : i32
        %dma_wait3A_131 = tpu.memref_slice %arg4[%add3A_11, %dma_wait3A_130] : memref<204800x128xf32, #tpu.memory_space<hbm>> -> memref<640x128xf32, #tpu.memory_space<hbm>>
        %dma_wait3A_132 = arith.constant 0 : i32
        %dma_wait3A_133 = tpu.memref_slice %arg4[%add3A_11, %dma_wait3A_132] : memref<204800x128xf32, #tpu.memory_space<hbm>> -> memref<640x128xf32, #tpu.memory_space<hbm>>
        tpu.wait_dma2 semaphore(%run_scoped3A : memref<!tpu.dma_semaphore, #tpu.memory_space<semaphore_mem>>) src(%arg6 : memref<640x128xf32, #tpu.memory_space<vmem>>) dst(%dma_wait3A_133 : memref<640x128xf32, #tpu.memory_space<hbm>>)
        tpu.yield
      }) : () -> ()
    }
    %scan3A_5 = arith.constant 10 : i32
    return
  }
}

module attributes {stable_mosaic.version = 14 : i64} {
  func.func @body(%arg0: i32, %arg1: memref<32x200x64xf32, #tpu.memory_space<vmem>>, %arg2: memref<1x200x64xf32, #tpu.memory_space<vmem>>, %arg3: memref<1x1x64xf32, #tpu.memory_space<vmem>>, %arg4: memref<1x1x64xf32, #tpu.memory_space<vmem>>, %arg5: memref<32x200x64xf32, #tpu.memory_space<vmem>>) attributes {dimension_semantics = [#tpu.dimension_semantics<arbitrary>], iteration_bounds = array<i64: 32>, scalar_prefetch = 0 : i64, scratch_operands = 0 : i64, tpu.core_type = #tpu.core_type<tc>, window_params = [{transform_indices = @transform_0, window_bounds = array<i64: 32, 200, 64>}, {pipeline_mode = #tpu.pipeline_mode<synchronous>, transform_indices = @transform_1, window_bounds = array<i64: 1, 200, 64>}, {pipeline_mode = #tpu.pipeline_mode<synchronous>, transform_indices = @transform_2, window_bounds = array<i64: 1, 1, 64>}, {pipeline_mode = #tpu.pipeline_mode<synchronous>, transform_indices = @transform_3, window_bounds = array<i64: 1, 1, 64>}, {transform_indices = @transform_4, window_bounds = array<i64: 32, 200, 64>}]} {
    %get3A = arith.constant 0 : index
    %get3A_0 = arith.constant 0 : index
    %get3A_1 = arith.constant 0 : index
    %get3A_2 = vector.load %arg1[%get3A, %get3A_0, %get3A_1] : memref<32x200x64xf32, #tpu.memory_space<vmem>>, vector<32x200x64xf32>
    %get3A_3 = arith.constant 0 : index
    %get3A_4 = arith.constant 0 : index
    %get3A_5 = arith.constant 0 : index
    %get3A_6 = vector.load %arg2[%get3A_3, %get3A_4, %get3A_5] : memref<1x200x64xf32, #tpu.memory_space<vmem>>, vector<1x200x64xf32>
    %add3A = vector.broadcast %get3A_6 : vector<1x200x64xf32> to vector<32x200x64xf32>
    %add3A_7 = arith.addf %get3A_2, %add3A : vector<32x200x64xf32>
    %reduce_sum3A = arith.constant dense<0.000000e+00> : vector<32x200xf32>
    %reduce_sum3A_8 = vector.multi_reduction <add>, %add3A_7, %reduce_sum3A [2] : vector<32x200x64xf32> to vector<32x200xf32>
    %broadcast_in_dim3A = vector.shape_cast %reduce_sum3A_8 : vector<32x200xf32> to vector<32x200x1xf32>
    %div3A = arith.constant 6.400000e+01 : f32
    %div3A_9 = vector.broadcast %div3A : f32 to vector<32x200x1xf32>
    %div3A_10 = arith.divf %broadcast_in_dim3A, %div3A_9 : vector<32x200x1xf32>
    %sub3A = vector.broadcast %div3A_10 : vector<32x200x1xf32> to vector<32x200x64xf32>
    %sub3A_11 = arith.subf %add3A_7, %sub3A : vector<32x200x64xf32>
    %mul3A = arith.mulf %sub3A_11, %sub3A_11 : vector<32x200x64xf32>
    %reduce_sum3A_12 = arith.constant dense<0.000000e+00> : vector<32x200xf32>
    %reduce_sum3A_13 = vector.multi_reduction <add>, %mul3A, %reduce_sum3A_12 [2] : vector<32x200x64xf32> to vector<32x200xf32>
    %broadcast_in_dim3A_14 = vector.shape_cast %reduce_sum3A_13 : vector<32x200xf32> to vector<32x200x1xf32>
    %div3A_15 = arith.constant 6.400000e+01 : f32
    %div3A_16 = vector.broadcast %div3A_15 : f32 to vector<32x200x1xf32>
    %div3A_17 = arith.divf %broadcast_in_dim3A_14, %div3A_16 : vector<32x200x1xf32>
    %add3A_18 = arith.constant 9.99999996E-13 : f32
    %add3A_19 = vector.broadcast %add3A_18 : f32 to vector<32x200x1xf32>
    %add3A_20 = arith.addf %div3A_17, %add3A_19 : vector<32x200x1xf32>
    %rsqrt3A = math.rsqrt %add3A_20 : vector<32x200x1xf32>
    %mul3A_21 = vector.broadcast %rsqrt3A : vector<32x200x1xf32> to vector<32x200x64xf32>
    %mul3A_22 = arith.mulf %sub3A_11, %mul3A_21 : vector<32x200x64xf32>
    %get3A_23 = arith.constant 0 : index
    %get3A_24 = arith.constant 0 : index
    %get3A_25 = arith.constant 0 : index
    %get3A_26 = vector.load %arg3[%get3A_23, %get3A_24, %get3A_25] : memref<1x1x64xf32, #tpu.memory_space<vmem>>, vector<1x1x64xf32>
    %mul3A_27 = vector.broadcast %get3A_26 : vector<1x1x64xf32> to vector<32x200x64xf32>
    %mul3A_28 = arith.mulf %mul3A_22, %mul3A_27 : vector<32x200x64xf32>
    %get3A_29 = arith.constant 0 : index
    %get3A_30 = arith.constant 0 : index
    %get3A_31 = arith.constant 0 : index
    %get3A_32 = vector.load %arg4[%get3A_29, %get3A_30, %get3A_31] : memref<1x1x64xf32, #tpu.memory_space<vmem>>, vector<1x1x64xf32>
    %add3A_33 = vector.broadcast %get3A_32 : vector<1x1x64xf32> to vector<32x200x64xf32>
    %add3A_34 = arith.addf %mul3A_28, %add3A_33 : vector<32x200x64xf32>
    %swap3A = arith.constant 0 : index
    %swap3A_35 = arith.constant 0 : index
    %swap3A_36 = arith.constant 0 : index
    %swap3A_37 = vector.load %arg5[%swap3A, %swap3A_35, %swap3A_36] : memref<32x200x64xf32, #tpu.memory_space<vmem>>, vector<32x200x64xf32>
    tpu.vector_store %arg5[%swap3A, %swap3A_35, %swap3A_36], %add3A_34 {strides = array<i32>} : memref<32x200x64xf32, #tpu.memory_space<vmem>>, vector<32x200x64xf32>,
    return
  }
  func.func @transform_0(%arg0: i32) -> (i32, i32, i32) {
    %c0_i32 = arith.constant 0 : i32
    %c0_i32_0 = arith.constant 0 : i32
    %c0_i32_1 = arith.constant 0 : i32
    return %arg0, %c0_i32, %c0_i32_0 : i32, i32, i32
  }
  func.func @transform_1(%arg0: i32) -> (i32, i32, i32) {
    %c0_i32 = arith.constant 0 : i32
    %c0_i32_0 = arith.constant 0 : i32
    %c0_i32_1 = arith.constant 0 : i32
    %c0_i32_2 = arith.constant 0 : i32
    return %c0_i32, %c0_i32_0, %c0_i32_1 : i32, i32, i32
  }
  func.func @transform_2(%arg0: i32) -> (i32, i32, i32) {
    %c0_i32 = arith.constant 0 : i32
    %c0_i32_0 = arith.constant 0 : i32
    %c0_i32_1 = arith.constant 0 : i32
    %c0_i32_2 = arith.constant 0 : i32
    return %c0_i32, %c0_i32_0, %c0_i32_1 : i32, i32, i32
  }
  func.func @transform_3(%arg0: i32) -> (i32, i32, i32) {
    %c0_i32 = arith.constant 0 : i32
    %c0_i32_0 = arith.constant 0 : i32
    %c0_i32_1 = arith.constant 0 : i32
    %c0_i32_2 = arith.constant 0 : i32
    return %c0_i32, %c0_i32_0, %c0_i32_1 : i32, i32, i32
  }
  func.func @transform_4(%arg0: i32) -> (i32, i32, i32) {
    %c0_i32 = arith.constant 0 : i32
    %c0_i32_0 = arith.constant 0 : i32
    %c0_i32_1 = arith.constant 0 : i32
    return %arg0, %c0_i32, %c0_i32_0 : i32, i32, i32
  }
}

</mosaic_0001>

<sc_bundles>
// kernel: kernel.4.cloned.1.call-start
scs
__scs_entry_jumppad:
0x0: {  	(pc) =	sbr.rel $0x88, $3  }
0x1: {  	(tag) =	ssettag $0x0;
	lr =	simm.s32 $0x1  }
0x2: {  	[smem:$0x3F9C] =	sst lr;
	_ =	strace $0xD0000000  }
0x3: {  	_ = 	snop  }
0x4: {  	_ = 	snop  }
0x5: {  	_ = 	snop  }
0x6: {  	_ = 	snop  }
0x7: {  	_ = 	snop  }
__scs_overlays_trampoline_lowered:
0x8: {  	[smem:$0x3FAB] =	sst s0  }
0x9: {  	[smem:$0x3FAC] =	sst s1  }
0xa: {  	[smem:$0x3FAD] =	sst s2  }
0xb: {  	[smem:$0x3FAE] =	sst s3  }
0xc: {  	[smem:$0x3FAF] =	sst s4  }
0xd: {  	[smem:$0x3FB0] =	sst s5  }
0xe: {  	[smem:$0x3FB1] =	sst s6  }
0xf: {  	[smem:$0x3FB2] =	sst s7  }
0x10: {  	[smem:$0x3FB3] =	sst s8  }
0x11: {  	[smem:$0x3FB4] =	sst s9;
	s0 =	simm.s32 @!p0 $0x0  }
0x12: {  	s1 =	sld [smem:$0x3F9A];
	s0 =	simm.s32 @p0 $0x1  }
0x13: {  	[smem:$0x3FB5] =	sst s0;
	s0 =	simm.s32 @!p1 $0x0  }
0x14: {  	s2 =	sld [smem:$0x3F99];
	s0 =	simm.s32 @p1 $0x1  }
0x15: {  	[smem:$0x3FB6] =	sst s0;
	s0 =	simm.s32 @!p2 $0x0  }
0x16: {  	s3 =	sld [smem:$0x3FDB];
	s0 =	simm.s32 @p2 $0x1  }
0x17: {  	s4 =	simm.s32 $0x1BF5;
	[smem:$0x3FB8] =	sst s0  }
0x18: {  	s0 =	sld [smem:$0x3F9B];
	_ =	swait.ge [sflag:s4], $0x0  }
0x19: {  	s7 =	sld [smem:$0x3F9C]  }
0x1a: {  	s8 =	sadd.s32 $0xFFFFE003, lr  }
0x1b: {  	s9 =	sadd.s32 $0xFFFFFEF7, lr;
	s5 =	simm.s32 $0xFFFFFFFF;
	p2 =	slt.u32 s8, $0xFFFFF086  }
0x1c: {  	p1 =	slt.u32 s9, $0xF7A;
	s5 =	simm.s32 @!p2 $0x0  }
0x1d: {  	s5 =	simm.s32 @p1 $0x1;
	p0 =	seq.s32 s7, s2  }
0x1e: {  	s7 =	smul.u32 @!p0 $0xF7A, s2;
	p2 =	seq.s32 @!p0 s5, $0x0  }
0x1f: {  	s9 =	smul.u32 $0xF7A, s1;
	s8 =	simm.s32 @!p0 $0x1BF5;
	p2 =	por !p2, p0  }
0x20: {  	[sflag:s8] =	ssyncset.s32 @!p0 $0xFFFFF086;
	s6 =	sadd.s32 @!p0 s3, s7;
	s7 =	simm.s32 @!p0 $0x108  }
0x21: {  	s3 =	sadd.s32 s3, s9;
	s6 =	sadd.s32 @!p0 $0x88, s6;
	s7 =	simm.s32 @p2 $0x1082  }
0x22: {  	[simem:s7], [sflag:s8] =	dma.local @!p0 [hbm:s6], $0xF7A  }
0x23: {  	s9 =	sor.u32 $0xD0000000, s2;
	s6 =	simm.s32 $0x108;
	_ =	swait.ge @!p0 [sflag:s8], $0x0  }
0x24: {  	s3 =	sadd.s32 $0x88, s3;
	s6 =	simm.s32 @!p1 $0x1082;
	[sflag:s4] =	ssyncset.s32 $0xFFFFF086  }
0x25: {  	[simem:s6], [sflag:s4] =	dma.local [hbm:s3], $0xF7A  }
0x26: {  	[smem:$0x3F9C] =	sst s1;
	(tag) =	ssettag s2;
	_ =	strace s9  }
0x27: {  	s1 =	sld [smem:$0x3FAC]  }
0x28: {  	s2 =	sld [smem:$0x3FAD]  }
0x29: {  	s4 =	sld [smem:$0x3FAF]  }
0x2a: {  	p0 =	seq.s32 s5, $0x0;
	s5 =	sld [smem:$0x3FB0]  }
0x2b: {  	s6 =	sld [smem:$0x3FB1]  }
0x2c: {  	s7 =	sld [smem:$0x3FB2]  }
0x2d: {  	s3 =	simm.s32 $0x108;
	s8 =	sld [smem:$0x3FB3]  }
0x2e: {  	s3 =	simm.s32 @!p0 $0x1082;
	s9 =	sld [smem:$0x3FB4]  }
0x2f: {  	lr =	sadd.s32 s0, s3;
	s0 =	sld [smem:$0x3FAB]  }
0x30: {  	s3 =	sld [smem:$0x3FAE]  }
0x31: {  	[smem:$0x3FB7] =	sst s10  }
0x32: {  	s10 =	sld [smem:$0x3FB5];
	_ =	sdelay $0x3  }
0x33: {  	p0 =	seq.s32 s10, $0x1;
	s10 =	sld [smem:$0x3FB7];
	_ =	sdelay $0x3  }
0x34: {  	[smem:$0x3FB7] =	sst s10  }
0x35: {  	s10 =	sld [smem:$0x3FB6];
	_ =	sdelay $0x3  }
0x36: {  	p1 =	seq.s32 s10, $0x1;
	s10 =	sld [smem:$0x3FB7];
	_ =	sdelay $0x3  }
0x37: {  	[smem:$0x3FB7] =	sst s10  }
0x38: {  	s10 =	sld [smem:$0x3FB8]  }
0x39: {  	_ = 	snop;
	(pc) =	sbr.ind lr, $3  }
0x3a: {  	_ = 	snop  }
0x3b: {  	_ = 	snop  }
0x3c: {  	p2 =	seq.s32 s10, $0x1;
	s10 =	sld [smem:$0x3FB7]  }
0x3d: {  	_ =	shalt  }
0x3e: {  	_ =	shalt  }
0x3f: {  	_ =	shalt  }
0x40: {  	_ =	shalt  }
0x41: {  	_ =	shalt  }
0x42: {  	_ =	shalt  }
0x43: {  	_ =	shalt  }
0x44: {  	_ =	shalt  }
0x45: {  	_ =	shalt  }
0x46: {  	_ =	shalt  }
0x47: {  	_ =	shalt  }
0x48: {  	_ =	shalt  }
0x49: {  	_ =	shalt  }
0x4a: {  	_ =	shalt  }
0x4b: {  	_ =	shalt  }
0x4c: {  	_ =	shalt  }
0x4d: {  	_ =	shalt  }
0x4e: {  	_ =	shalt  }
0x4f: {  	_ =	shalt  }
0x50: {  	_ =	shalt  }
0x51: {  	_ =	shalt  }
0x52: {  	_ =	shalt  }
0x53: {  	_ =	shalt  }
0x54: {  	_ =	shalt  }
0x55: {  	_ =	shalt  }
0x56: {  	_ =	shalt  }
0x57: {  	_ =	shalt  }
0x58: {  	_ =	shalt  }
0x59: {  	_ =	shalt  }
0x5a: {  	_ =	shalt  }
0x5b: {  	_ =	shalt  }
0x5c: {  	_ =	shalt  }
0x5d: {  	_ =	shalt  }
0x5e: {  	_ =	shalt  }
0x5f: {  	_ =	shalt  }
0x60: {  	_ =	shalt  }
0x61: {  	_ =	shalt  }
0x62: {  	_ =	shalt  }
0x63: {  	_ =	shalt  }
0x64: {  	_ =	shalt  }
0x65: {  	_ =	shalt  }
0x66: {  	_ =	shalt  }
0x67: {  	_ =	shalt  }
0x68: {  	_ =	shalt  }
0x69: {  	_ =	shalt  }
0x6a: {  	_ =	shalt  }
0x6b: {  	_ =	shalt  }
0x6c: {  	_ =	shalt  }
0x6d: {  	_ =	shalt  }
0x6e: {  	_ =	shalt  }
0x6f: {  	_ =	shalt  }
0x70: {  	_ =	shalt  }
0x71: {  	_ =	shalt  }
0x72: {  	_ =	shalt  }
0x73: {  	_ =	shalt  }
0x74: {  	_ =	shalt  }
0x75: {  	_ =	shalt  }
0x76: {  	_ =	shalt  }
0x77: {  	_ =	shalt  }
0x78: {  	_ =	shalt  }
0x79: {  	_ =	shalt  }
0x7a: {  	_ =	shalt  }
0x7b: {  	_ =	shalt  }
0x7c: {  	_ =	shalt  }
0x7d: {  	_ =	shalt  }
0x7e: {  	_ =	shalt  }
0x7f: {  	_ =	shalt  }
0x80: {  	_ =	shalt  }
0x81: {  	_ =	shalt  }
0x82: {  	_ =	shalt  }
0x83: {  	_ =	shalt  }
0x84: {  	_ =	shalt  }
0x85: {  	_ =	shalt  }
0x86: {  	_ =	shalt  }
0x87: {  	_ =	shalt  }
.Lfunc_end0:
.L_simem_size_0:
called_computation_lowered:
.L_overlay_start_0:
0x88: {  	s2 =	sld [smem:$0x3FD9]  }
0x89: {  	s3 =	sld [smem:$0x3FFE];
	_ =	sdelay $0x1  }
0x8a: {  	s1 =	srdreg.scid  }
0x8b: {  	s0 =	sand.u32 $0x1, s1  }
0x8c: {  	s17 =	sshll.u32 s0, $0xA;
	s2 =	sadd.s32 s3, s2  }
0x8d: {  	s2 =	sadd.s32 s2, s17  }
0x8e: {  	[smem:$0x3FC3] =	sst s2  }
0x8f: {  	_ = 	snop  }
0x90: {  	s2 =	sld [smem:$0x3FD0];
	(tm) =	ssettm $0x1  }
0x91: {  	s18 =	sld [smem:$0x3FFB];
	_ =	sdelay $0x3  }
0x92: {  	_ =	strace s18  }
0x93: {  	s3 =	sld [smem:$0x3FFC];
	_ =	sdelay $0x3  }
0x94: {  	_ =	strace s3  }
0x95: {  	s3 =	sld [smem:$0x3FFD];
	_ =	sdelay $0x3  }
0x96: {  	_ =	strace s3  }
0x97: {  	_ =	strace $0x8FFFFFFF  }
0x98: {  	s19 =	sld [smem:$0x3FDB];
	_ =	sdelay $0x1  }
0x99: {  	s4 =	simm.s32 $_scs_section_size  }
0x9a: {  	s5 =	simm.s32 $_size__tile_overlayer_lowered;
	s6 =	simm.s32 $_tile_overlayer_lowered  }
0x9b: {  	s22 =	simm.s32 $0x1BFF;
	s21 =	sshll.u32 s6, $0x1;
	s3 =	sadd.s32 s4, s19  }
0x9c: {  	s7 =	simm.s32 $0x0;
	s20 =	sshll.u32 s5, $0x1;
	s5 =	sadd.s32 s21, s3  }
0x9d: {  	[timem:s7], [sflag:s22] =	dma.local [hbm:s5], s20  }
0x9e: {  	_ =	swait.ge [sflag:s22], s20  }
0x9f: {  	s4 =	ssub.s32 $0x0, s20;
	[sflag:s22] =	ssyncset.done $0x0  }
0xa0: {  	[sflag:s22] =	ssyncadd.s32 s4;
	_ =	sdelay $0x1  }
0xa1: {  	s23 =	simm.s32 $0x1B8B  }
0xa2: {  	_ =	swait.ge [sflag:s23], $0x1  }
0xa3: {  	[sflag:s23] =	ssyncset.done $0x0  }
0xa4: {  	s25 =	simm.s32 $0x1B8E;
	s24 =	sld [smem:$0x3FFE];
	[sflag:s23] =	ssyncadd.s32 $0xFFFFFFFF  }
0xa5: {  	s26 =	simm.s32 $execute0_lowered;
	[smem:$0x3FD2] =	sst s25  }
0xa6: {  	s5 =	sshll.u32 s26, $0x1;
	_ =	strace $0x80000046;
	[dreg:$0x1] =	wrdreg $0xFFFFFFFF  }
0xa7: {  	s28 =	simm.s32 $_size_execute0_lowered;
	s3 =	sadd.s32 s3, s5;
	[dreg:$0x0] =	wrdreg $0x0  }
0xa8: {  	s5 =	sshll.u32 s28, $0x1;
	[dreg:$0x2] =	wrdreg s3  }
0xa9: {  	[dreg:$0x3] =	wrdreg s5  }
0xaa: {  	[dreg:$0x4] =	wrdreg $0xC0  }
0xab: {  	_ =	task [dreg:s7], $0x5FFFF  }
0xac: {  	[dreg:$0x1] =	wrdreg $0xFFFFFFFF  }
0xad: {  	[dreg:$0x0] =	wrdreg $0x60  }
0xae: {  	[dreg:$0x2] =	wrdreg s24  }
0xaf: {  	[dreg:$0x3] =	wrdreg s2  }
0xb0: {  	[dreg:$0x4] =	wrdreg $0x9  }
0xb1: {  	_ =	task.clear_ibuf [dreg:s7], $0x5FFFF;
	_ =	strace $0x90000046  }
0xb2: {  	s29 =	simm.s32 $0x9;
	_ =	strace $0x80000048  }
0xb3: {  	_ =	swait.ge [sflag:s29], $0x1  }
0xb4: {  	[sflag:s29] =	ssyncadd.s32 $0xFFFFFFFF  }
0xb5: {  	_ =	strace $0x90000048  }
0xb6: {  	_ =	sfence  }
0xb7: {  	s30 =	sld [smem:$0x0];
	_ =	sdelay $0x2  }
0xb8: {  	s31 =	sshll.u32 s1, $0xD;
	s1 =	sshrl.u32 s1, $0x2  }
0xb9: {  	s3 =	sand.u32 $0x4000, s31;
	s1 =	sadd.s32 s1, s30  }
0xba: {  	s0 =	sor.u32 s3, s0;
	s1 =	sshll.u32 s1, $0x11  }
0xbb: {  	s0 =	sor.u32 s1, s0  }
0xbc: {  	s0 =	sadd.s32 $0x8F2B, s0  }
0xbd: {  	[sflag:s0] =	ssyncadd.remote.s32 $0x1  }
0xbe: {  	_ =	sfence.sel $0xFFFF  }
0xbf: {  	[dreg:$0x0] =	wrdreg $0xFFFFFFFF;
	(pc) =	sbr.abs _section_cstart, $3  }
0xc0: {  	[dreg:$0x1] =	wrdreg $0xFFFFFFFF  }
0xc1: {  	_ =	task.clear_ibuf [dreg:s7], $0x2FFFF;
	_ =	strace $0x9FFFFFFF  }
0xc2: {  	(tm) =	ssettm $0x7FFFFFFF  }
0xc3: {  	_ =	shalt  }
tec
execute0_lowered:
.L_overlay_start_1:
0x0: {  	(tag) =	ssettag $0x1  }
0x1: {  	s4 =	rddreg [dreg:$0x0]  }
0x2: {  	s6 =	rddreg [dreg:$0x1]  }
0x3: {  	s0 =	rddreg [dreg:$0x2]  }
0x4: {  	s1 =	stileid.u32;
	s2 =	simm.s32 $0x0;
	s3 =	srdreg.scid  }
0x5: {  	s11 =	simm.s32 $0x100;
	s12 =	simm.s32 $0x8280;
	s13 =	simm.s32 $0x180  }
0x6: {  	s14 =	simm.s32 $0xC280;
	s15 =	simm.s32 $0x200;
	s16 =	simm.s32 $0x10280  }
0x7: {  	s17 =	simm.s32 $0x1;
	s18 =	simm.s32 $0x0;
	s5 =	smul.u32 $0x32000, s1  }
0x8: {  	[smem:$0x7FF] =	sst s2;
	s7 =	sand.u32 $0x1, s3;
	s8 =	smul.u32 $0x3200, s1  }
0x9: {  	s3 =	sadd.s32 $0xF43000, s4;
	s9 =	smul.u32 $0x1900, s7;
	s10 =	ssub.s32 $0x2, s7  }
0xa: {  	_ =	strace $0x80000047;
	s7 =	smul.u32 $0x19000, s7;
	s31 =	sshrl.u32 s10, $0x1  }
0xb: {  	s4 =	sadd.s32 s5, s4;
	s8 =	sadd.s32 s9, s8;
	s5 =	ssub.s32 s10, s31  }
0xc: {  	s7 =	sadd.s32 s7, s4;
	s9 =	simm.s32 $0x280;
	s10 =	simm.s32 $0x4280  }
0xd: {  	s8 =	sshrl.u32 s8, $0x3;
	s4 =	smax.u32 s5, $0x1;
	s5 =	sadd.s32 $0xC00, s7  }
0xe: {  	s7 =	simm.s32 $0x2;
	s6 =	sadd.s32 s8, s6;
	s8 =	simm.s32 $0x80  }
.LBB2_1:
0xf: {  	s19 =	sadd.s32 $0x0, s6  }
0x10: {  	[tilespmem:s2], [sflag:$0x2] =	stream.linear.gather [hbm4b:s19+s2], $0x280, $0x38;
	[tilespmem:$0x14280] =	vst v63  }
0x11: {  	_ =	swait.ge [sflag:s7], $0x280  }
0x12: {  	[sflag:s7] =	ssyncset.done $0x0  }
0x13: {  	[sflag:s7] =	ssyncadd.s32 $0xFFFFFD80  }
0x14: {  	[tilespmem:s9], [sflag:$0x1] =	stream.indirect.gather [hbm4b:s3+s8], $0x80, s2, s8, $0xb8;
	[tilespmem:$0x14280] =	vst v63  }
0x15: {  	_ = 	snop  }
0x16: {  	[tilespmem:s10], [sflag:$0x1] =	stream.indirect.gather [hbm4b:s3+s8], $0x80, s8, s8, $0xb8;
	[tilespmem:$0x14280] =	vst v63  }
0x17: {  	_ = 	snop  }
0x18: {  	[tilespmem:s12], [sflag:$0x1] =	stream.indirect.gather [hbm4b:s3+s8], $0x80, s11, s8, $0xb8;
	[tilespmem:$0x14280] =	vst v63  }
0x19: {  	_ = 	snop  }
0x1a: {  	[tilespmem:s14], [sflag:$0x1] =	stream.indirect.gather [hbm4b:s3+s8], $0x80, s13, s8, $0xb8;
	[tilespmem:$0x14280] =	vst v63  }
0x1b: {  	_ = 	snop  }
0x1c: {  	[tilespmem:s16], [sflag:$0x1] =	stream.indirect.gather [hbm4b:s3+s8], $0x80, s15, s8, $0xb8;
	[tilespmem:$0x14280] =	vst v63  }
0x1d: {  	_ =	swait.ge [sflag:s17], $0x4000  }
0x1e: {  	[sflag:s17] =	ssyncset.done $0x0  }
0x1f: {  	[sflag:s17] =	ssyncadd.s32 $0xFFFFC000  }
0x20: {  	_ =	swait.ge [sflag:s17], $0x4000  }
0x21: {  	[sflag:s17] =	ssyncset.done $0x0  }
0x22: {  	[sflag:s17] =	ssyncadd.s32 $0xFFFFC000  }
0x23: {  	_ =	swait.ge [sflag:s17], $0x4000  }
0x24: {  	[sflag:s17] =	ssyncset.done $0x0  }
0x25: {  	[sflag:s17] =	ssyncadd.s32 $0xFFFFC000  }
0x26: {  	_ =	swait.ge [sflag:s17], $0x4000  }
0x27: {  	[sflag:s17] =	ssyncset.done $0x0  }
0x28: {  	[sflag:s17] =	ssyncadd.s32 $0xFFFFC000  }
0x29: {  	_ =	swait.ge [sflag:s17], $0x4000  }
0x2a: {  	[sflag:s17] =	ssyncset.done $0x0  }
0x2b: {  	[sflag:s17] =	ssyncadd.s32 $0xFFFFC000  }
0x2c: {  	[hbm4b:s5+s2] =	stream.linear.scatter [tilespmem:s9], [sflag:$0x2], $0x14000, $0x38;
	[tilespmem:$0x14280] =	vst v63  }
0x2d: {  	s20 =	simm.s32 $0x50;
	_ =	swait.ge [sflag:s7], $0x14000  }
0x2e: {  	s21 =	simm.s32 $0xA0;
	s19 =	sadd.s32 $0x2800, s5;
	[sflag:s7] =	ssyncset.done $0x0  }
.LBB2_2:
0x2f: {  	s22 =	sadd.s32 s20, s6  }
0x30: {  	[sflag:s7] =	ssyncadd.s32 $0xFFFEC000;
	s20 =	smov.u32 s21;
	s23 =	sadd.s32 $0x50, s21  }
0x31: {  	[tilespmem:s2], [sflag:$0x2] =	stream.linear.gather [hbm4b:s22+s2], $0x280, $0x38;
	[tilespmem:$0x14280] =	vst v63  }
0x32: {  	p0 =	sne.s32 s21, $0x2D0;
	_ =	swait.ge [sflag:s7], $0x280  }
0x33: {  	[sflag:s7] =	ssyncset.done $0x0  }
0x34: {  	[sflag:s7] =	ssyncadd.s32 $0xFFFFFD80  }
0x35: {  	[tilespmem:s9], [sflag:$0x1] =	stream.indirect.gather [hbm4b:s3+s8], $0x80, s2, s8, $0xb8;
	[tilespmem:$0x14280] =	vst v63  }
0x36: {  	_ = 	snop  }
0x37: {  	[tilespmem:s10], [sflag:$0x1] =	stream.indirect.gather [hbm4b:s3+s8], $0x80, s8, s8, $0xb8;
	[tilespmem:$0x14280] =	vst v63  }
0x38: {  	_ = 	snop  }
0x39: {  	[tilespmem:s12], [sflag:$0x1] =	stream.indirect.gather [hbm4b:s3+s8], $0x80, s11, s8, $0xb8;
	[tilespmem:$0x14280] =	vst v63  }
0x3a: {  	_ = 	snop  }
0x3b: {  	[tilespmem:s14], [sflag:$0x1] =	stream.indirect.gather [hbm4b:s3+s8], $0x80, s13, s8, $0xb8;
	[tilespmem:$0x14280] =	vst v63  }
0x3c: {  	_ = 	snop  }
0x3d: {  	[tilespmem:s16], [sflag:$0x1] =	stream.indirect.gather [hbm4b:s3+s8], $0x80, s15, s8, $0xb8;
	[tilespmem:$0x14280] =	vst v63  }
0x3e: {  	_ =	swait.ge [sflag:s17], $0x4000  }
0x3f: {  	[sflag:s17] =	ssyncset.done $0x0  }
0x40: {  	[sflag:s17] =	ssyncadd.s32 $0xFFFFC000  }
0x41: {  	_ =	swait.ge [sflag:s17], $0x4000  }
0x42: {  	[sflag:s17] =	ssyncset.done $0x0  }
0x43: {  	[sflag:s17] =	ssyncadd.s32 $0xFFFFC000  }
0x44: {  	_ =	swait.ge [sflag:s17], $0x4000  }
0x45: {  	[sflag:s17] =	ssyncset.done $0x0  }
0x46: {  	[sflag:s17] =	ssyncadd.s32 $0xFFFFC000  }
0x47: {  	_ =	swait.ge [sflag:s17], $0x4000  }
0x48: {  	[sflag:s17] =	ssyncset.done $0x0  }
0x49: {  	[sflag:s17] =	ssyncadd.s32 $0xFFFFC000  }
0x4a: {  	_ =	swait.ge [sflag:s17], $0x4000  }
.Ltmp0:
0x4b: {  	[sflag:s17] =	ssyncset.done $0x0;
	(pc) =	sbr.rel @p0 .LBB2_2-.Ltmp0, $4  }
0x4c: {  	[sflag:s17] =	ssyncadd.s32 $0xFFFFC000  }
0x4d: {  	[hbm4b:s19+s2] =	stream.linear.scatter [tilespmem:s9], [sflag:$0x2], $0x14000, $0x38;
	[tilespmem:$0x14280] =	vst v63  }
0x4e: {  	_ =	swait.ge [sflag:s7], $0x14000  }
0x4f: {  	s21 =	smov.u32 s23;
	s19 =	sadd.s32 $0x2800, s19;
	[sflag:s7] =	ssyncset.done $0x0  }
0x50: {  	s20 =	sadd.s32 s20, s6;
	[sflag:s7] =	ssyncadd.s32 $0xFFFEC000  }
0x51: {  	[tilespmem:s2], [sflag:$0x2] =	stream.linear.gather [hbm4b:s20+s2], $0x280, $0x38;
	[tilespmem:$0x14280] =	vst v63  }
0x52: {  	_ =	swait.ge [sflag:s7], $0x280  }
0x53: {  	[sflag:s7] =	ssyncset.done $0x0  }
0x54: {  	[sflag:s7] =	ssyncadd.s32 $0xFFFFFD80  }
0x55: {  	[tilespmem:s9], [sflag:$0x1] =	stream.indirect.gather [hbm4b:s3+s8], $0x80, s2, s8, $0xb8;
	[tilespmem:$0x14280] =	vst v63  }
0x56: {  	_ = 	snop  }
0x57: {  	[tilespmem:s10], [sflag:$0x1] =	stream.indirect.gather [hbm4b:s3+s8], $0x80, s8, s8, $0xb8;
	[tilespmem:$0x14280] =	vst v63  }
0x58: {  	_ = 	snop  }
0x59: {  	[tilespmem:s12], [sflag:$0x1] =	stream.indirect.gather [hbm4b:s3+s8], $0x80, s11, s8, $0xb8;
	[tilespmem:$0x14280] =	vst v63  }
0x5a: {  	_ = 	snop  }
0x5b: {  	[tilespmem:s14], [sflag:$0x1] =	stream.indirect.gather [hbm4b:s3+s8], $0x80, s13, s8, $0xb8;
	[tilespmem:$0x14280] =	vst v63  }
0x5c: {  	_ = 	snop  }
0x5d: {  	[tilespmem:s16], [sflag:$0x1] =	stream.indirect.gather [hbm4b:s3+s8], $0x80, s15, s8, $0xb8;
	[tilespmem:$0x14280] =	vst v63  }
0x5e: {  	_ =	swait.ge [sflag:s17], $0x4000  }
0x5f: {  	[sflag:s17] =	ssyncset.done $0x0  }
0x60: {  	[sflag:s17] =	ssyncadd.s32 $0xFFFFC000  }
0x61: {  	_ =	swait.ge [sflag:s17], $0x4000  }
0x62: {  	[sflag:s17] =	ssyncset.done $0x0  }
0x63: {  	[sflag:s17] =	ssyncadd.s32 $0xFFFFC000  }
0x64: {  	_ =	swait.ge [sflag:s17], $0x4000  }
0x65: {  	[sflag:s17] =	ssyncset.done $0x0  }
0x66: {  	[sflag:s17] =	ssyncadd.s32 $0xFFFFC000  }
0x67: {  	_ =	swait.ge [sflag:s17], $0x4000  }
0x68: {  	[sflag:s17] =	ssyncset.done $0x0  }
0x69: {  	[sflag:s17] =	ssyncadd.s32 $0xFFFFC000  }
0x6a: {  	s18 =	sadd.s32 $0x1, s18;
	_ =	swait.ge [sflag:s17], $0x4000  }
0x6b: {  	p0 =	sne.s32 s18, s4;
	[sflag:s17] =	ssyncset.done $0x0  }
.Ltmp1:
0x6c: {  	[sflag:s17] =	ssyncadd.s32 $0xFFFFC000;
	(pc) =	sbr.rel @p0 .LBB2_1-.Ltmp1, $4  }
0x6d: {  	[hbm4b:s19+s2] =	stream.linear.scatter [tilespmem:s9], [sflag:$0x2], $0x14000, $0x38;
	[tilespmem:$0x14280] =	vst v63  }
0x6e: {  	_ =	swait.ge [sflag:s7], $0x14000  }
0x6f: {  	[sflag:s7] =	ssyncset.done $0x0  }
0x70: {  	[sflag:s7] =	ssyncadd.s32 $0xFFFEC000  }
0x71: {  	_ =	sfence.sel $0x180000  }
0x72: {  	[bflag:$0x0] =	sbarrier.arrive $0xFFFF  }
0x73: {  	p0 =	sne.s32 s1, $0x0;
	_ =	strace $0x90000047  }
0x74: {  	s0 =	sadd.s32 @!p0 $0x100000, s0;
	[bflag:$0x2] =	sbarrier.arrive $0xFFFF  }
0x75: {  	[sflag:s0] =	ssyncadd.tile.s32 @!p0 $0x1;
	_ =	shalt  }
.Lfunc_end2:
_tile_overlayer_lowered:
.L_overlay_start_2:
0x76: {  	(tag) =	ssettag $0x2  }
0x77: {  	s0 =	rddreg [dreg:$0x0];
	s2 =	stileid.u32  }
0x78: {  	s1 =	rddreg [dreg:$0x1];
	p0 =	sne.s32 s2, $0x0  }
0x79: {  	s3 =	rddreg [dreg:$0x2];
	[bflag:$0x3] =	sbarrier.arrive $0xFFFF;
	s2 =	simm.s32 @!p0 $0x1C02  }
0x7a: {  	[timem:s3], [sflag:s2] =	dma.local @!p0 [hbm:s0], s1  }
0x7b: {  	s0 =	simm.s32 @!p0 $0x2  }
0x7c: {  	_ =	swait.ge @!p0 [sflag:s0], s1  }
0x7d: {  	s1 =	ssub.s32 @!p0 $0x0, s1;
	[sflag:s0] =	ssyncset.done @!p0 $0x0  }
0x7e: {  	[sflag:s0] =	ssyncadd.s32 @!p0 s1  }
0x7f: {  	[bflag:$0x3] =	sbarrier.arrive $0xFFFF  }
0x80: {  	_ =	shalt  }

</sc_bundles>
